<compile_context>
chip_gen: v7x
topology: tpu7x:2x2x1
jax: 0.10.2.dev20260603
libtpu: 0.0.44.dev20260713+nightly
codegen_flags: <defaults>
</compile_context>

<pallas_src>
import functools

import jax
import jax.numpy as jnp
from jax import lax
from jax.experimental import pallas as pl
from jax.experimental.pallas import tpu as pltpu
from jax.experimental.pallas import tpu_sc as plsc

NUM_CORES = 2
NUM_SUBCORES = 16
NUM_WORKERS = NUM_CORES * NUM_SUBCORES

CH = 640
NBUF = 4
BK = 8192


def _tc_repack(V, D):
    grid = pl.cdiv(V, BK)

    def body(tT_ref, out_ref):
        x = tT_ref[...]
        y = jnp.swapaxes(x, 0, 1)
        y32 = y.reshape(BK // 4, 4, D)
        out_ref[...] = jnp.concatenate(
            [y32[:, jm, :] for jm in range(4)], axis=1
        )

    return pl.pallas_call(
        body,
        grid=(grid,),
        in_specs=[pl.BlockSpec((D, BK), lambda g: (0, g))],
        out_specs=pl.BlockSpec((BK * D // 128, 128), lambda g: (g, 0)),
        out_shape=jax.ShapeDtypeStruct((V * D // 128, 128), jnp.float32),
    )


def _make_gather(S, T, V, D):
    B = S * T
    k_per_w = (B // CH) // NUM_WORKERS
    b_per_w = k_per_w * CH
    assert b_per_w * NUM_WORKERS == B
    assert k_per_w % NBUF == 0 and k_per_w >= 3 * NBUF
    n_steps = k_per_w // NBUF

    mesh = plsc.VectorSubcoreMesh(core_axis_name="c", subcore_axis_name="s")

    scratch = (
        [pltpu.VMEM((b_per_w,), jnp.int32)]
        + [pltpu.VMEM((CH, D), jnp.float32) for _ in range(NBUF)]
        + [pltpu.SemaphoreType.DMA for _ in range(2 * NBUF)]
    )

    @functools.partial(
        pl.kernel,
        out_type=jax.ShapeDtypeStruct((B, D), jnp.float32),
        mesh=mesh,
        scratch_types=scratch,
        compiler_params=pltpu.CompilerParams(
            use_tc_tiling_on_sc=False, needs_layout_passes=False
        ),
    )
    def gather_kernel(idx_hbm, table_hbm, out_hbm, idx_v, *bufs):
        rows = bufs[:NBUF]
        gsem = bufs[NBUF : 2 * NBUF]
        ssem = bufs[2 * NBUF :]
        wid = lax.axis_index("s") * NUM_CORES + lax.axis_index("c")
        j0 = wid * b_per_w
        pltpu.sync_copy(idx_hbm.at[pl.ds(j0, b_per_w)], idx_v)

        def start_gather(c, b):
            pltpu.async_copy(
                table_hbm.at[idx_v.at[pl.ds(c * CH, CH)]], rows[b], gsem[b]
            )

        def wait_gather(b):
            pltpu.make_async_copy(
                table_hbm.at[idx_v.at[pl.ds(0, CH)]], rows[b], gsem[b]
            ).wait()

        def start_store(c, b):
            pltpu.async_copy(
                rows[b],
                out_hbm.at[pl.ds(j0 + c * CH, CH)],
                ssem[b],
            )

        def wait_store(b):
            pltpu.make_async_copy(
                rows[b],
                out_hbm.at[pl.ds(0, CH)],
                ssem[b],
            ).wait()

        for b in range(NBUF):
            start_gather(b, b)

        def step_body(step, carry):
            for b in range(NBUF):
                c = step * NBUF + b
                wait_gather(b)
                start_store(c, b)
                wait_store(b)
                start_gather(c + NBUF, b)
            return carry

        lax.fori_loop(0, n_steps - 1, step_body, 0)

        for b in range(NBUF):
            c = (n_steps - 1) * NBUF + b
            wait_gather(b)
            start_store(c, b)
        for b in range(NBUF):
            wait_store(b)

    return gather_kernel


def kernel(phonemes, table):
    S, T = phonemes.shape
    V, D = table.shape
    tableT = jnp.transpose(table)
    scr = _tc_repack(V, D)(tableT)
    table_lin = scr.reshape(-1).reshape(V, D)
    idx_flat = phonemes.reshape(-1).astype(jnp.int32)
    out2 = _make_gather(S, T, V, D)(idx_flat, table_lin)
    return out2.reshape(S, T, D)

# --- scband reference (transcript-rebuilt; emitter-appended) ---
"""Pipeline reference for scband-phoneme-embedding-33371895890262 (READ-ONLY COPY).

The authoritative reference and input builder live on the scoring server;
editing this copy changes nothing except your own understanding.
"""

import jax, jax.numpy as jnp
import numpy as np

VOCAB = 1000000
EMBED = 32

def setup_inputs(seed: int = 0) -> dict:
    key = jax.random.key(seed)
    k1, k2 = jax.random.split(key)
    phonemes = jax.random.randint(k1, (4096, 200), 0, VOCAB, dtype=jnp.int64 if jax.config.jax_enable_x64 else jnp.int32)
    table = jax.random.normal(k2, (VOCAB, EMBED), dtype=jnp.float32)
    return {"phonemes": phonemes, "table": table}

def reference(phonemes, table):
    # nn.Embedding forward: gather rows of the embedding table
    return jnp.take(table, phonemes, axis=0)

if __name__ == "__main__":
    import jax
    _d = setup_inputs()
    print(jax.jit(kernel)(*tuple(_d.values())))

</pallas_src>

<mosaic_0001>
#map = affine_map<(d0, d1) -> (0)>
#map1 = affine_map<(d0, d1) -> (0, 0)>
module attributes {stable_mosaic.version = 14 : i64} {
  func.func @gather_kernel(%arg0: i32, %arg1: i32, %arg2: memref<819200xi32, #tpu.memory_space<hbm>>, %arg3: memref<1000000x32xf32, #tpu.memory_space<hbm>>, %arg4: memref<819200x32xf32, #tpu.memory_space<hbm>>, %arg5: memref<25600xi32, #tpu.memory_space<vmem>>, %arg6: memref<640x32xf32, #tpu.memory_space<vmem>>, %arg7: memref<640x32xf32, #tpu.memory_space<vmem>>, %arg8: memref<640x32xf32, #tpu.memory_space<vmem>>, %arg9: memref<640x32xf32, #tpu.memory_space<vmem>>, %arg10: memref<!tpu.dma_semaphore, #tpu.memory_space<semaphore_mem>>, %arg11: memref<!tpu.dma_semaphore, #tpu.memory_space<semaphore_mem>>, %arg12: memref<!tpu.dma_semaphore, #tpu.memory_space<semaphore_mem>>, %arg13: memref<!tpu.dma_semaphore, #tpu.memory_space<semaphore_mem>>, %arg14: memref<!tpu.dma_semaphore, #tpu.memory_space<semaphore_mem>>, %arg15: memref<!tpu.dma_semaphore, #tpu.memory_space<semaphore_mem>>, %arg16: memref<!tpu.dma_semaphore, #tpu.memory_space<semaphore_mem>>, %arg17: memref<!tpu.dma_semaphore, #tpu.memory_space<semaphore_mem>>) attributes {dimension_semantics = [#tpu.dimension_semantics<core_parallel>, #tpu.dimension_semantics<subcore_parallel>], iteration_bounds = array<i64: 2, 16>, scalar_prefetch = 0 : i64, scratch_operands = 13 : i64, tpu.core_type = #tpu.core_type<sc_vector_subcore>, window_params = [{transform_indices = #map}, {transform_indices = #map1}, {transform_indices = #map1}]} {
    %mul3A = arith.constant 2 : i32
    %mul3A_0 = arith.muli %arg1, %mul3A : i32
    %add3A = arith.addi %mul3A_0, %arg0 : i32
    %mul3A_1 = arith.constant 25600 : i32
    %mul3A_2 = arith.muli %add3A, %mul3A_1 : i32
    "tpu.region"() ({
      %run_scoped3A = tpu.sem_alloc : memref<!tpu.dma_semaphore, #tpu.memory_space<semaphore_mem>>
      %dma_start3A_94 = tpu.memref_slice %arg2[%mul3A_2] : memref<819200xi32, #tpu.memory_space<hbm>> -> memref<25600xi32, #tpu.memory_space<hbm>>
      %dma_start3A_95 = tpu.memref_slice %arg2[%mul3A_2] : memref<819200xi32, #tpu.memory_space<hbm>> -> memref<25600xi32, #tpu.memory_space<hbm>>
      tpu.enqueue_dma source(%dma_start3A_95 : memref<25600xi32, #tpu.memory_space<hbm>>) target(%arg5 : memref<25600xi32, #tpu.memory_space<vmem>>) target_semaphore(%run_scoped3A : memref<!tpu.dma_semaphore, #tpu.memory_space<semaphore_mem>>)
      %dma_wait3A_96 = tpu.memref_slice %arg2[%mul3A_2] : memref<819200xi32, #tpu.memory_space<hbm>> -> memref<25600xi32, #tpu.memory_space<hbm>>
      %dma_wait3A_97 = tpu.memref_slice %arg2[%mul3A_2] : memref<819200xi32, #tpu.memory_space<hbm>> -> memref<25600xi32, #tpu.memory_space<hbm>>
      tpu.wait_dma2 semaphore(%run_scoped3A : memref<!tpu.dma_semaphore, #tpu.memory_space<semaphore_mem>>) src(%dma_wait3A_97 : memref<25600xi32, #tpu.memory_space<hbm>>) dst(%arg5 : memref<25600xi32, #tpu.memory_space<vmem>>)
      tpu.yield
    }) : () -> ()
    %dma_start3A = arith.constant 0 : i32
    %dma_start3A_3 = tpu.memref_slice %arg5[%dma_start3A] : memref<25600xi32, #tpu.memory_space<vmem>> -> memref<640xi32, #tpu.memory_space<vmem>>
    %dma_start3A_4 = arith.constant 0 : i32
    %dma_start3A_5 = arith.constant 0 : i32
    %dma_start3A_6 = tpu.memref_slice %arg3[%dma_start3A_4, %dma_start3A_5] : memref<1000000x32xf32, #tpu.memory_space<hbm>> -> memref<1000000x32xf32, #tpu.memory_space<hbm>>
    tpu.enqueue_indirect_dma source(%dma_start3A_6 : memref<1000000x32xf32, #tpu.memory_space<hbm>>) target(%arg6 : memref<640x32xf32, #tpu.memory_space<vmem>>) offsets(%dma_start3A_3 : memref<640xi32, #tpu.memory_space<vmem>>) semaphore(%arg10 : memref<!tpu.dma_semaphore, #tpu.memory_space<semaphore_mem>>)
    %dma_start3A_7 = arith.constant 640 : i32
    %dma_start3A_8 = tpu.memref_slice %arg5[%dma_start3A_7] : memref<25600xi32, #tpu.memory_space<vmem>> -> memref<640xi32, #tpu.memory_space<vmem>>
    %dma_start3A_9 = arith.constant 0 : i32
    %dma_start3A_10 = arith.constant 0 : i32
    %dma_start3A_11 = tpu.memref_slice %arg3[%dma_start3A_9, %dma_start3A_10] : memref<1000000x32xf32, #tpu.memory_space<hbm>> -> memref<1000000x32xf32, #tpu.memory_space<hbm>>
    tpu.enqueue_indirect_dma source(%dma_start3A_11 : memref<1000000x32xf32, #tpu.memory_space<hbm>>) target(%arg7 : memref<640x32xf32, #tpu.memory_space<vmem>>) offsets(%dma_start3A_8 : memref<640xi32, #tpu.memory_space<vmem>>) semaphore(%arg11 : memref<!tpu.dma_semaphore, #tpu.memory_space<semaphore_mem>>)
    %dma_start3A_12 = arith.constant 1280 : i32
    %dma_start3A_13 = tpu.memref_slice %arg5[%dma_start3A_12] : memref<25600xi32, #tpu.memory_space<vmem>> -> memref<640xi32, #tpu.memory_space<vmem>>
    %dma_start3A_14 = arith.constant 0 : i32
    %dma_start3A_15 = arith.constant 0 : i32
    %dma_start3A_16 = tpu.memref_slice %arg3[%dma_start3A_14, %dma_start3A_15] : memref<1000000x32xf32, #tpu.memory_space<hbm>> -> memref<1000000x32xf32, #tpu.memory_space<hbm>>
    tpu.enqueue_indirect_dma source(%dma_start3A_16 : memref<1000000x32xf32, #tpu.memory_space<hbm>>) target(%arg8 : memref<640x32xf32, #tpu.memory_space<vmem>>) offsets(%dma_start3A_13 : memref<640xi32, #tpu.memory_space<vmem>>) semaphore(%arg12 : memref<!tpu.dma_semaphore, #tpu.memory_space<semaphore_mem>>)
    %dma_start3A_17 = arith.constant 1920 : i32
    %dma_start3A_18 = tpu.memref_slice %arg5[%dma_start3A_17] : memref<25600xi32, #tpu.memory_space<vmem>> -> memref<640xi32, #tpu.memory_space<vmem>>
    %dma_start3A_19 = arith.constant 0 : i32
    %dma_start3A_20 = arith.constant 0 : i32
    %dma_start3A_21 = tpu.memref_slice %arg3[%dma_start3A_19, %dma_start3A_20] : memref<1000000x32xf32, #tpu.memory_space<hbm>> -> memref<1000000x32xf32, #tpu.memory_space<hbm>>
    tpu.enqueue_indirect_dma source(%dma_start3A_21 : memref<1000000x32xf32, #tpu.memory_space<hbm>>) target(%arg9 : memref<640x32xf32, #tpu.memory_space<vmem>>) offsets(%dma_start3A_18 : memref<640xi32, #tpu.memory_space<vmem>>) semaphore(%arg13 : memref<!tpu.dma_semaphore, #tpu.memory_space<semaphore_mem>>)
    %scan3A = arith.constant 0 : i32
    %scan3A_22 = arith.constant 0 : i32
    %scan3A_23 = arith.constant 9 : i32
    %scan3A_24 = arith.addi %scan3A_22, %scan3A_23 : i32
    %scan3A_25 = arith.constant 1 : i32
    scf.for %scan3A_94 = %scan3A_22 to %scan3A_24 step %scan3A_25  : i32 {
      %mul3A_95 = arith.constant 4 : i32
      %mul3A_96 = arith.muli %scan3A_94, %mul3A_95 : i32
      %add3A_97 = arith.constant 0 : i32
      %add3A_98 = arith.addi %mul3A_96, %add3A_97 : i32
      %dma_wait3A_99 = arith.constant 0 : i32
      %dma_wait3A_100 = tpu.memref_slice %arg5[%dma_wait3A_99] : memref<25600xi32, #tpu.memory_space<vmem>> -> memref<640xi32, #tpu.memory_space<vmem>>
      %dma_wait3A_101 = arith.constant 0 : i32
      %dma_wait3A_102 = arith.constant 0 : i32
      %dma_wait3A_103 = tpu.memref_slice %arg3[%dma_wait3A_101, %dma_wait3A_102] : memref<1000000x32xf32, #tpu.memory_space<hbm>> -> memref<1000000x32xf32, #tpu.memory_space<hbm>>
      tpu.wait_indirect_dma semaphore(%arg10 : memref<!tpu.dma_semaphore, #tpu.memory_space<semaphore_mem>>) src(%dma_wait3A_103 : memref<1000000x32xf32, #tpu.memory_space<hbm>>) dst(%arg6 : memref<640x32xf32, #tpu.memory_space<vmem>>)
      %mul3A_104 = arith.constant 640 : i32
      %mul3A_105 = arith.muli %add3A_98, %mul3A_104 : i32
      %add3A_106 = arith.addi %mul3A_2, %mul3A_105 : i32
      %dma_start3A_107 = arith.constant 0 : i32
      %dma_start3A_108 = tpu.memref_slice %arg4[%add3A_106, %dma_start3A_107] : memref<819200x32xf32, #tpu.memory_space<hbm>> -> memref<640x32xf32, #tpu.memory_space<hbm>>
      %dma_start3A_109 = arith.constant 0 : i32
      %dma_start3A_110 = tpu.memref_slice %arg4[%add3A_106, %dma_start3A_109] : memref<819200x32xf32, #tpu.memory_space<hbm>> -> memref<640x32xf32, #tpu.memory_space<hbm>>
      tpu.enqueue_dma source(%arg6 : memref<640x32xf32, #tpu.memory_space<vmem>>) target(%dma_start3A_110 : memref<640x32xf32, #tpu.memory_space<hbm>>) target_semaphore(%arg14 : memref<!tpu.dma_semaphore, #tpu.memory_space<semaphore_mem>>)
      %dma_wait3A_111 = arith.constant 0 : i32
      %dma_wait3A_112 = arith.constant 0 : i32
      %dma_wait3A_113 = tpu.memref_slice %arg4[%dma_wait3A_111, %dma_wait3A_112] : memref<819200x32xf32, #tpu.memory_space<hbm>> -> memref<640x32xf32, #tpu.memory_space<hbm>>
      %dma_wait3A_114 = arith.constant 0 : i32
      %dma_wait3A_115 = arith.constant 0 : i32
      %dma_wait3A_116 = tpu.memref_slice %arg4[%dma_wait3A_114, %dma_wait3A_115] : memref<819200x32xf32, #tpu.memory_space<hbm>> -> memref<640x32xf32, #tpu.memory_space<hbm>>
      tpu.wait_dma2 semaphore(%arg14 : memref<!tpu.dma_semaphore, #tpu.memory_space<semaphore_mem>>) src(%arg6 : memref<640x32xf32, #tpu.memory_space<vmem>>) dst(%dma_wait3A_116 : memref<640x32xf32, #tpu.memory_space<hbm>>)
      %add3A_117 = arith.constant 4 : i32
      %add3A_118 = arith.addi %add3A_98, %add3A_117 : i32
      %mul3A_119 = arith.constant 640 : i32
      %mul3A_120 = arith.muli %add3A_118, %mul3A_119 : i32
      %dma_start3A_121 = tpu.memref_slice %arg5[%mul3A_120] : memref<25600xi32, #tpu.memory_space<vmem>> -> memref<640xi32, #tpu.memory_space<vmem>>
      %dma_start3A_122 = arith.constant 0 : i32
      %dma_start3A_123 = arith.constant 0 : i32
      %dma_start3A_124 = tpu.memref_slice %arg3[%dma_start3A_122, %dma_start3A_123] : memref<1000000x32xf32, #tpu.memory_space<hbm>> -> memref<1000000x32xf32, #tpu.memory_space<hbm>>
      tpu.enqueue_indirect_dma source(%dma_start3A_124 : memref<1000000x32xf32, #tpu.memory_space<hbm>>) target(%arg6 : memref<640x32xf32, #tpu.memory_space<vmem>>) offsets(%dma_start3A_121 : memref<640xi32, #tpu.memory_space<vmem>>) semaphore(%arg10 : memref<!tpu.dma_semaphore, #tpu.memory_space<semaphore_mem>>)
      %mul3A_125 = arith.constant 4 : i32
      %mul3A_126 = arith.muli %scan3A_94, %mul3A_125 : i32
      %add3A_127 = arith.constant 1 : i32
      %add3A_128 = arith.addi %mul3A_126, %add3A_127 : i32
      %dma_wait3A_129 = arith.constant 0 : i32
      %dma_wait3A_130 = tpu.memref_slice %arg5[%dma_wait3A_129] : memref<25600xi32, #tpu.memory_space<vmem>> -> memref<640xi32, #tpu.memory_space<vmem>>
      %dma_wait3A_131 = arith.constant 0 : i32
      %dma_wait3A_132 = arith.constant 0 : i32
      %dma_wait3A_133 = tpu.memref_slice %arg3[%dma_wait3A_131, %dma_wait3A_132] : memref<1000000x32xf32, #tpu.memory_space<hbm>> -> memref<1000000x32xf32, #tpu.memory_space<hbm>>
      tpu.wait_indirect_dma semaphore(%arg11 : memref<!tpu.dma_semaphore, #tpu.memory_space<semaphore_mem>>) src(%dma_wait3A_133 : memref<1000000x32xf32, #tpu.memory_space<hbm>>) dst(%arg7 : memref<640x32xf32, #tpu.memory_space<vmem>>)
      %mul3A_134 = arith.constant 640 : i32
      %mul3A_135 = arith.muli %add3A_128, %mul3A_134 : i32
      %add3A_136 = arith.addi %mul3A_2, %mul3A_135 : i32
      %dma_start3A_137 = arith.constant 0 : i32
      %dma_start3A_138 = tpu.memref_slice %arg4[%add3A_136, %dma_start3A_137] : memref<819200x32xf32, #tpu.memory_space<hbm>> -> memref<640x32xf32, #tpu.memory_space<hbm>>
      %dma_start3A_139 = arith.constant 0 : i32
      %dma_start3A_140 = tpu.memref_slice %arg4[%add3A_136, %dma_start3A_139] : memref<819200x32xf32, #tpu.memory_space<hbm>> -> memref<640x32xf32, #tpu.memory_space<hbm>>
      tpu.enqueue_dma source(%arg7 : memref<640x32xf32, #tpu.memory_space<vmem>>) target(%dma_start3A_140 : memref<640x32xf32, #tpu.memory_space<hbm>>) target_semaphore(%arg15 : memref<!tpu.dma_semaphore, #tpu.memory_space<semaphore_mem>>)
      %dma_wait3A_141 = arith.constant 0 : i32
      %dma_wait3A_142 = arith.constant 0 : i32
      %dma_wait3A_143 = tpu.memref_slice %arg4[%dma_wait3A_141, %dma_wait3A_142] : memref<819200x32xf32, #tpu.memory_space<hbm>> -> memref<640x32xf32, #tpu.memory_space<hbm>>
      %dma_wait3A_144 = arith.constant 0 : i32
      %dma_wait3A_145 = arith.constant 0 : i32
      %dma_wait3A_146 = tpu.memref_slice %arg4[%dma_wait3A_144, %dma_wait3A_145] : memref<819200x32xf32, #tpu.memory_space<hbm>> -> memref<640x32xf32, #tpu.memory_space<hbm>>
      tpu.wait_dma2 semaphore(%arg15 : memref<!tpu.dma_semaphore, #tpu.memory_space<semaphore_mem>>) src(%arg7 : memref<640x32xf32, #tpu.memory_space<vmem>>) dst(%dma_wait3A_146 : memref<640x32xf32, #tpu.memory_space<hbm>>)
      %add3A_147 = arith.constant 4 : i32
      %add3A_148 = arith.addi %add3A_128, %add3A_147 : i32
      %mul3A_149 = arith.constant 640 : i32
      %mul3A_150 = arith.muli %add3A_148, %mul3A_149 : i32
      %dma_start3A_151 = tpu.memref_slice %arg5[%mul3A_150] : memref<25600xi32, #tpu.memory_space<vmem>> -> memref<640xi32, #tpu.memory_space<vmem>>
      %dma_start3A_152 = arith.constant 0 : i32
      %dma_start3A_153 = arith.constant 0 : i32
      %dma_start3A_154 = tpu.memref_slice %arg3[%dma_start3A_152, %dma_start3A_153] : memref<1000000x32xf32, #tpu.memory_space<hbm>> -> memref<1000000x32xf32, #tpu.memory_space<hbm>>
      tpu.enqueue_indirect_dma source(%dma_start3A_154 : memref<1000000x32xf32, #tpu.memory_space<hbm>>) target(%arg7 : memref<640x32xf32, #tpu.memory_space<vmem>>) offsets(%dma_start3A_151 : memref<640xi32, #tpu.memory_space<vmem>>) semaphore(%arg11 : memref<!tpu.dma_semaphore, #tpu.memory_space<semaphore_mem>>)
      %mul3A_155 = arith.constant 4 : i32
      %mul3A_156 = arith.muli %scan3A_94, %mul3A_155 : i32
      %add3A_157 = arith.constant 2 : i32
      %add3A_158 = arith.addi %mul3A_156, %add3A_157 : i32
      %dma_wait3A_159 = arith.constant 0 : i32
      %dma_wait3A_160 = tpu.memref_slice %arg5[%dma_wait3A_159] : memref<25600xi32, #tpu.memory_space<vmem>> -> memref<640xi32, #tpu.memory_space<vmem>>
      %dma_wait3A_161 = arith.constant 0 : i32
      %dma_wait3A_162 = arith.constant 0 : i32
      %dma_wait3A_163 = tpu.memref_slice %arg3[%dma_wait3A_161, %dma_wait3A_162] : memref<1000000x32xf32, #tpu.memory_space<hbm>> -> memref<1000000x32xf32, #tpu.memory_space<hbm>>
      tpu.wait_indirect_dma semaphore(%arg12 : memref<!tpu.dma_semaphore, #tpu.memory_space<semaphore_mem>>) src(%dma_wait3A_163 : memref<1000000x32xf32, #tpu.memory_space<hbm>>) dst(%arg8 : memref<640x32xf32, #tpu.memory_space<vmem>>)
      %mul3A_164 = arith.constant 640 : i32
      %mul3A_165 = arith.muli %add3A_158, %mul3A_164 : i32
      %add3A_166 = arith.addi %mul3A_2, %mul3A_165 : i32
      %dma_start3A_167 = arith.constant 0 : i32
      %dma_start3A_168 = tpu.memref_slice %arg4[%add3A_166, %dma_start3A_167] : memref<819200x32xf32, #tpu.memory_space<hbm>> -> memref<640x32xf32, #tpu.memory_space<hbm>>
      %dma_start3A_169 = arith.constant 0 : i32
      %dma_start3A_170 = tpu.memref_slice %arg4[%add3A_166, %dma_start3A_169] : memref<819200x32xf32, #tpu.memory_space<hbm>> -> memref<640x32xf32, #tpu.memory_space<hbm>>
      tpu.enqueue_dma source(%arg8 : memref<640x32xf32, #tpu.memory_space<vmem>>) target(%dma_start3A_170 : memref<640x32xf32, #tpu.memory_space<hbm>>) target_semaphore(%arg16 : memref<!tpu.dma_semaphore, #tpu.memory_space<semaphore_mem>>)
      %dma_wait3A_171 = arith.constant 0 : i32
      %dma_wait3A_172 = arith.constant 0 : i32
      %dma_wait3A_173 = tpu.memref_slice %arg4[%dma_wait3A_171, %dma_wait3A_172] : memref<819200x32xf32, #tpu.memory_space<hbm>> -> memref<640x32xf32, #tpu.memory_space<hbm>>
      %dma_wait3A_174 = arith.constant 0 : i32
      %dma_wait3A_175 = arith.constant 0 : i32
      %dma_wait3A_176 = tpu.memref_slice %arg4[%dma_wait3A_174, %dma_wait3A_175] : memref<819200x32xf32, #tpu.memory_space<hbm>> -> memref<640x32xf32, #tpu.memory_space<hbm>>
      tpu.wait_dma2 semaphore(%arg16 : memref<!tpu.dma_semaphore, #tpu.memory_space<semaphore_mem>>) src(%arg8 : memref<640x32xf32, #tpu.memory_space<vmem>>) dst(%dma_wait3A_176 : memref<640x32xf32, #tpu.memory_space<hbm>>)
      %add3A_177 = arith.constant 4 : i32
      %add3A_178 = arith.addi %add3A_158, %add3A_177 : i32
      %mul3A_179 = arith.constant 640 : i32
      %mul3A_180 = arith.muli %add3A_178, %mul3A_179 : i32
      %dma_start3A_181 = tpu.memref_slice %arg5[%mul3A_180] : memref<25600xi32, #tpu.memory_space<vmem>> -> memref<640xi32, #tpu.memory_space<vmem>>
      %dma_start3A_182 = arith.constant 0 : i32
      %dma_start3A_183 = arith.constant 0 : i32
      %dma_start3A_184 = tpu.memref_slice %arg3[%dma_start3A_182, %dma_start3A_183] : memref<1000000x32xf32, #tpu.memory_space<hbm>> -> memref<1000000x32xf32, #tpu.memory_space<hbm>>
      tpu.enqueue_indirect_dma source(%dma_start3A_184 : memref<1000000x32xf32, #tpu.memory_space<hbm>>) target(%arg8 : memref<640x32xf32, #tpu.memory_space<vmem>>) offsets(%dma_start3A_181 : memref<640xi32, #tpu.memory_space<vmem>>) semaphore(%arg12 : memref<!tpu.dma_semaphore, #tpu.memory_space<semaphore_mem>>)
      %mul3A_185 = arith.constant 4 : i32
      %mul3A_186 = arith.muli %scan3A_94, %mul3A_185 : i32
      %add3A_187 = arith.constant 3 : i32
      %add3A_188 = arith.addi %mul3A_186, %add3A_187 : i32
      %dma_wait3A_189 = arith.constant 0 : i32
      %dma_wait3A_190 = tpu.memref_slice %arg5[%dma_wait3A_189] : memref<25600xi32, #tpu.memory_space<vmem>> -> memref<640xi32, #tpu.memory_space<vmem>>
      %dma_wait3A_191 = arith.constant 0 : i32
      %dma_wait3A_192 = arith.constant 0 : i32
      %dma_wait3A_193 = tpu.memref_slice %arg3[%dma_wait3A_191, %dma_wait3A_192] : memref<1000000x32xf32, #tpu.memory_space<hbm>> -> memref<1000000x32xf32, #tpu.memory_space<hbm>>
      tpu.wait_indirect_dma semaphore(%arg13 : memref<!tpu.dma_semaphore, #tpu.memory_space<semaphore_mem>>) src(%dma_wait3A_193 : memref<1000000x32xf32, #tpu.memory_space<hbm>>) dst(%arg9 : memref<640x32xf32, #tpu.memory_space<vmem>>)
      %mul3A_194 = arith.constant 640 : i32
      %mul3A_195 = arith.muli %add3A_188, %mul3A_194 : i32
      %add3A_196 = arith.addi %mul3A_2, %mul3A_195 : i32
      %dma_start3A_197 = arith.constant 0 : i32
      %dma_start3A_198 = tpu.memref_slice %arg4[%add3A_196, %dma_start3A_197] : memref<819200x32xf32, #tpu.memory_space<hbm>> -> memref<640x32xf32, #tpu.memory_space<hbm>>
      %dma_start3A_199 = arith.constant 0 : i32
      %dma_start3A_200 = tpu.memref_slice %arg4[%add3A_196, %dma_start3A_199] : memref<819200x32xf32, #tpu.memory_space<hbm>> -> memref<640x32xf32, #tpu.memory_space<hbm>>
      tpu.enqueue_dma source(%arg9 : memref<640x32xf32, #tpu.memory_space<vmem>>) target(%dma_start3A_200 : memref<640x32xf32, #tpu.memory_space<hbm>>) target_semaphore(%arg17 : memref<!tpu.dma_semaphore, #tpu.memory_space<semaphore_mem>>)
      %dma_wait3A_201 = arith.constant 0 : i32
      %dma_wait3A_202 = arith.constant 0 : i32
      %dma_wait3A_203 = tpu.memref_slice %arg4[%dma_wait3A_201, %dma_wait3A_202] : memref<819200x32xf32, #tpu.memory_space<hbm>> -> memref<640x32xf32, #tpu.memory_space<hbm>>
      %dma_wait3A_204 = arith.constant 0 : i32
      %dma_wait3A_205 = arith.constant 0 : i32
      %dma_wait3A_206 = tpu.memref_slice %arg4[%dma_wait3A_204, %dma_wait3A_205] : memref<819200x32xf32, #tpu.memory_space<hbm>> -> memref<640x32xf32, #tpu.memory_space<hbm>>
      tpu.wait_dma2 semaphore(%arg17 : memref<!tpu.dma_semaphore, #tpu.memory_space<semaphore_mem>>) src(%arg9 : memref<640x32xf32, #tpu.memory_space<vmem>>) dst(%dma_wait3A_206 : memref<640x32xf32, #tpu.memory_space<hbm>>)
      %add3A_207 = arith.constant 4 : i32
      %add3A_208 = arith.addi %add3A_188, %add3A_207 : i32
      %mul3A_209 = arith.constant 640 : i32
      %mul3A_210 = arith.muli %add3A_208, %mul3A_209 : i32
      %dma_start3A_211 = tpu.memref_slice %arg5[%mul3A_210] : memref<25600xi32, #tpu.memory_space<vmem>> -> memref<640xi32, #tpu.memory_space<vmem>>
      %dma_start3A_212 = arith.constant 0 : i32
      %dma_start3A_213 = arith.constant 0 : i32
      %dma_start3A_214 = tpu.memref_slice %arg3[%dma_start3A_212, %dma_start3A_213] : memref<1000000x32xf32, #tpu.memory_space<hbm>> -> memref<1000000x32xf32, #tpu.memory_space<hbm>>
      tpu.enqueue_indirect_dma source(%dma_start3A_214 : memref<1000000x32xf32, #tpu.memory_space<hbm>>) target(%arg9 : memref<640x32xf32, #tpu.memory_space<vmem>>) offsets(%dma_start3A_211 : memref<640xi32, #tpu.memory_space<vmem>>) semaphore(%arg13 : memref<!tpu.dma_semaphore, #tpu.memory_space<semaphore_mem>>)
    }
    %scan3A_26 = arith.constant 9 : i32
    %dma_wait3A = arith.constant 0 : i32
    %dma_wait3A_27 = tpu.memref_slice %arg5[%dma_wait3A] : memref<25600xi32, #tpu.memory_space<vmem>> -> memref<640xi32, #tpu.memory_space<vmem>>
    %dma_wait3A_28 = arith.constant 0 : i32
    %dma_wait3A_29 = arith.constant 0 : i32
    %dma_wait3A_30 = tpu.memref_slice %arg3[%dma_wait3A_28, %dma_wait3A_29] : memref<1000000x32xf32, #tpu.memory_space<hbm>> -> memref<1000000x32xf32, #tpu.memory_space<hbm>>
    tpu.wait_indirect_dma semaphore(%arg10 : memref<!tpu.dma_semaphore, #tpu.memory_space<semaphore_mem>>) src(%dma_wait3A_30 : memref<1000000x32xf32, #tpu.memory_space<hbm>>) dst(%arg6 : memref<640x32xf32, #tpu.memory_space<vmem>>)
    %add3A_31 = arith.constant 23040 : i32
    %add3A_32 = arith.addi %mul3A_2, %add3A_31 : i32
    %dma_start3A_33 = arith.constant 0 : i32
    %dma_start3A_34 = tpu.memref_slice %arg4[%add3A_32, %dma_start3A_33] : memref<819200x32xf32, #tpu.memory_space<hbm>> -> memref<640x32xf32, #tpu.memory_space<hbm>>
    %dma_start3A_35 = arith.constant 0 : i32
    %dma_start3A_36 = tpu.memref_slice %arg4[%add3A_32, %dma_start3A_35] : memref<819200x32xf32, #tpu.memory_space<hbm>> -> memref<640x32xf32, #tpu.memory_space<hbm>>
    tpu.enqueue_dma source(%arg6 : memref<640x32xf32, #tpu.memory_space<vmem>>) target(%dma_start3A_36 : memref<640x32xf32, #tpu.memory_space<hbm>>) target_semaphore(%arg14 : memref<!tpu.dma_semaphore, #tpu.memory_space<semaphore_mem>>)
    %dma_wait3A_37 = arith.constant 0 : i32
    %dma_wait3A_38 = tpu.memref_slice %arg5[%dma_wait3A_37] : memref<25600xi32, #tpu.memory_space<vmem>> -> memref<640xi32, #tpu.memory_space<vmem>>
    %dma_wait3A_39 = arith.constant 0 : i32
    %dma_wait3A_40 = arith.constant 0 : i32
    %dma_wait3A_41 = tpu.memref_slice %arg3[%dma_wait3A_39, %dma_wait3A_40] : memref<1000000x32xf32, #tpu.memory_space<hbm>> -> memref<1000000x32xf32, #tpu.memory_space<hbm>>
    tpu.wait_indirect_dma semaphore(%arg11 : memref<!tpu.dma_semaphore, #tpu.memory_space<semaphore_mem>>) src(%dma_wait3A_41 : memref<1000000x32xf32, #tpu.memory_space<hbm>>) dst(%arg7 : memref<640x32xf32, #tpu.memory_space<vmem>>)
    %add3A_42 = arith.constant 23680 : i32
    %add3A_43 = arith.addi %mul3A_2, %add3A_42 : i32
    %dma_start3A_44 = arith.constant 0 : i32
    %dma_start3A_45 = tpu.memref_slice %arg4[%add3A_43, %dma_start3A_44] : memref<819200x32xf32, #tpu.memory_space<hbm>> -> memref<640x32xf32, #tpu.memory_space<hbm>>
    %dma_start3A_46 = arith.constant 0 : i32
    %dma_start3A_47 = tpu.memref_slice %arg4[%add3A_43, %dma_start3A_46] : memref<819200x32xf32, #tpu.memory_space<hbm>> -> memref<640x32xf32, #tpu.memory_space<hbm>>
    tpu.enqueue_dma source(%arg7 : memref<640x32xf32, #tpu.memory_space<vmem>>) target(%dma_start3A_47 : memref<640x32xf32, #tpu.memory_space<hbm>>) target_semaphore(%arg15 : memref<!tpu.dma_semaphore, #tpu.memory_space<semaphore_mem>>)
    %dma_wait3A_48 = arith.constant 0 : i32
    %dma_wait3A_49 = tpu.memref_slice %arg5[%dma_wait3A_48] : memref<25600xi32, #tpu.memory_space<vmem>> -> memref<640xi32, #tpu.memory_space<vmem>>
    %dma_wait3A_50 = arith.constant 0 : i32
    %dma_wait3A_51 = arith.constant 0 : i32
    %dma_wait3A_52 = tpu.memref_slice %arg3[%dma_wait3A_50, %dma_wait3A_51] : memref<1000000x32xf32, #tpu.memory_space<hbm>> -> memref<1000000x32xf32, #tpu.memory_space<hbm>>
    tpu.wait_indirect_dma semaphore(%arg12 : memref<!tpu.dma_semaphore, #tpu.memory_space<semaphore_mem>>) src(%dma_wait3A_52 : memref<1000000x32xf32, #tpu.memory_space<hbm>>) dst(%arg8 : memref<640x32xf32, #tpu.memory_space<vmem>>)
    %add3A_53 = arith.constant 24320 : i32
    %add3A_54 = arith.addi %mul3A_2, %add3A_53 : i32
    %dma_start3A_55 = arith.constant 0 : i32
    %dma_start3A_56 = tpu.memref_slice %arg4[%add3A_54, %dma_start3A_55] : memref<819200x32xf32, #tpu.memory_space<hbm>> -> memref<640x32xf32, #tpu.memory_space<hbm>>
    %dma_start3A_57 = arith.constant 0 : i32
    %dma_start3A_58 = tpu.memref_slice %arg4[%add3A_54, %dma_start3A_57] : memref<819200x32xf32, #tpu.memory_space<hbm>> -> memref<640x32xf32, #tpu.memory_space<hbm>>
    tpu.enqueue_dma source(%arg8 : memref<640x32xf32, #tpu.memory_space<vmem>>) target(%dma_start3A_58 : memref<640x32xf32, #tpu.memory_space<hbm>>) target_semaphore(%arg16 : memref<!tpu.dma_semaphore, #tpu.memory_space<semaphore_mem>>)
    %dma_wait3A_59 = arith.constant 0 : i32
    %dma_wait3A_60 = tpu.memref_slice %arg5[%dma_wait3A_59] : memref<25600xi32, #tpu.memory_space<vmem>> -> memref<640xi32, #tpu.memory_space<vmem>>
    %dma_wait3A_61 = arith.constant 0 : i32
    %dma_wait3A_62 = arith.constant 0 : i32
    %dma_wait3A_63 = tpu.memref_slice %arg3[%dma_wait3A_61, %dma_wait3A_62] : memref<1000000x32xf32, #tpu.memory_space<hbm>> -> memref<1000000x32xf32, #tpu.memory_space<hbm>>
    tpu.wait_indirect_dma semaphore(%arg13 : memref<!tpu.dma_semaphore, #tpu.memory_space<semaphore_mem>>) src(%dma_wait3A_63 : memref<1000000x32xf32, #tpu.memory_space<hbm>>) dst(%arg9 : memref<640x32xf32, #tpu.memory_space<vmem>>)
    %add3A_64 = arith.constant 24960 : i32
    %add3A_65 = arith.addi %mul3A_2, %add3A_64 : i32
    %dma_start3A_66 = arith.constant 0 : i32
    %dma_start3A_67 = tpu.memref_slice %arg4[%add3A_65, %dma_start3A_66] : memref<819200x32xf32, #tpu.memory_space<hbm>> -> memref<640x32xf32, #tpu.memory_space<hbm>>
    %dma_start3A_68 = arith.constant 0 : i32
    %dma_start3A_69 = tpu.memref_slice %arg4[%add3A_65, %dma_start3A_68] : memref<819200x32xf32, #tpu.memory_space<hbm>> -> memref<640x32xf32, #tpu.memory_space<hbm>>
    tpu.enqueue_dma source(%arg9 : memref<640x32xf32, #tpu.memory_space<vmem>>) target(%dma_start3A_69 : memref<640x32xf32, #tpu.memory_space<hbm>>) target_semaphore(%arg17 : memref<!tpu.dma_semaphore, #tpu.memory_space<semaphore_mem>>)
    %dma_wait3A_70 = arith.constant 0 : i32
    %dma_wait3A_71 = arith.constant 0 : i32
    %dma_wait3A_72 = tpu.memref_slice %arg4[%dma_wait3A_70, %dma_wait3A_71] : memref<819200x32xf32, #tpu.memory_space<hbm>> -> memref<640x32xf32, #tpu.memory_space<hbm>>
    %dma_wait3A_73 = arith.constant 0 : i32
    %dma_wait3A_74 = arith.constant 0 : i32
    %dma_wait3A_75 = tpu.memref_slice %arg4[%dma_wait3A_73, %dma_wait3A_74] : memref<819200x32xf32, #tpu.memory_space<hbm>> -> memref<640x32xf32, #tpu.memory_space<hbm>>
    tpu.wait_dma2 semaphore(%arg14 : memref<!tpu.dma_semaphore, #tpu.memory_space<semaphore_mem>>) src(%arg6 : memref<640x32xf32, #tpu.memory_space<vmem>>) dst(%dma_wait3A_75 : memref<640x32xf32, #tpu.memory_space<hbm>>)
    %dma_wait3A_76 = arith.constant 0 : i32
    %dma_wait3A_77 = arith.constant 0 : i32
    %dma_wait3A_78 = tpu.memref_slice %arg4[%dma_wait3A_76, %dma_wait3A_77] : memref<819200x32xf32, #tpu.memory_space<hbm>> -> memref<640x32xf32, #tpu.memory_space<hbm>>
    %dma_wait3A_79 = arith.constant 0 : i32
    %dma_wait3A_80 = arith.constant 0 : i32
    %dma_wait3A_81 = tpu.memref_slice %arg4[%dma_wait3A_79, %dma_wait3A_80] : memref<819200x32xf32, #tpu.memory_space<hbm>> -> memref<640x32xf32, #tpu.memory_space<hbm>>
    tpu.wait_dma2 semaphore(%arg15 : memref<!tpu.dma_semaphore, #tpu.memory_space<semaphore_mem>>) src(%arg7 : memref<640x32xf32, #tpu.memory_space<vmem>>) dst(%dma_wait3A_81 : memref<640x32xf32, #tpu.memory_space<hbm>>)
    %dma_wait3A_82 = arith.constant 0 : i32
    %dma_wait3A_83 = arith.constant 0 : i32
    %dma_wait3A_84 = tpu.memref_slice %arg4[%dma_wait3A_82, %dma_wait3A_83] : memref<819200x32xf32, #tpu.memory_space<hbm>> -> memref<640x32xf32, #tpu.memory_space<hbm>>
    %dma_wait3A_85 = arith.constant 0 : i32
    %dma_wait3A_86 = arith.constant 0 : i32
    %dma_wait3A_87 = tpu.memref_slice %arg4[%dma_wait3A_85, %dma_wait3A_86] : memref<819200x32xf32, #tpu.memory_space<hbm>> -> memref<640x32xf32, #tpu.memory_space<hbm>>
    tpu.wait_dma2 semaphore(%arg16 : memref<!tpu.dma_semaphore, #tpu.memory_space<semaphore_mem>>) src(%arg8 : memref<640x32xf32, #tpu.memory_space<vmem>>) dst(%dma_wait3A_87 : memref<640x32xf32, #tpu.memory_space<hbm>>)
    %dma_wait3A_88 = arith.constant 0 : i32
    %dma_wait3A_89 = arith.constant 0 : i32
    %dma_wait3A_90 = tpu.memref_slice %arg4[%dma_wait3A_88, %dma_wait3A_89] : memref<819200x32xf32, #tpu.memory_space<hbm>> -> memref<640x32xf32, #tpu.memory_space<hbm>>
    %dma_wait3A_91 = arith.constant 0 : i32
    %dma_wait3A_92 = arith.constant 0 : i32
    %dma_wait3A_93 = tpu.memref_slice %arg4[%dma_wait3A_91, %dma_wait3A_92] : memref<819200x32xf32, #tpu.memory_space<hbm>> -> memref<640x32xf32, #tpu.memory_space<hbm>>
    tpu.wait_dma2 semaphore(%arg17 : memref<!tpu.dma_semaphore, #tpu.memory_space<semaphore_mem>>) src(%arg9 : memref<640x32xf32, #tpu.memory_space<vmem>>) dst(%dma_wait3A_93 : memref<640x32xf32, #tpu.memory_space<hbm>>)
    return
  }
}

module attributes {stable_mosaic.version = 14 : i64} {
  func.func @body(%arg0: i32, %arg1: memref<32x8192xf32, #tpu.memory_space<vmem>>, %arg2: memref<2048x128xf32, #tpu.memory_space<vmem>>) attributes {dimension_semantics = [#tpu.dimension_semantics<arbitrary>], iteration_bounds = array<i64: 123>, scalar_prefetch = 0 : i64, scratch_operands = 0 : i64, tpu.core_type = #tpu.core_type<tc>, window_params = [{transform_indices = @transform_0, window_bounds = array<i64: 32, 8192>}, {transform_indices = @transform_1, window_bounds = array<i64: 2048, 128>}]} {
    %get3A = arith.constant 0 : index
    %get3A_0 = arith.constant 0 : index
    %get3A_1 = vector.load %arg1[%get3A, %get3A_0] : memref<32x8192xf32, #tpu.memory_space<vmem>>, vector<32x8192xf32>
    %transpose3A = tpu.transpose %get3A_1, [1, 0] : vector<32x8192xf32> -> vector<8192x32xf32>
    %reshape3A = vector.shape_cast %transpose3A : vector<8192x32xf32> to vector<2048x4x32xf32>
    %slice3A = vector.extract_strided_slice %reshape3A {offsets = [0, 0, 0], sizes = [2048, 1, 32], strides = [1, 1, 1]} : vector<2048x4x32xf32> to vector<2048x1x32xf32>
    %squeeze3A = vector.shape_cast %slice3A : vector<2048x1x32xf32> to vector<2048x32xf32>
    %slice3A_2 = vector.extract_strided_slice %reshape3A {offsets = [0, 1, 0], sizes = [2048, 1, 32], strides = [1, 1, 1]} : vector<2048x4x32xf32> to vector<2048x1x32xf32>
    %squeeze3A_3 = vector.shape_cast %slice3A_2 : vector<2048x1x32xf32> to vector<2048x32xf32>
    %slice3A_4 = vector.extract_strided_slice %reshape3A {offsets = [0, 2, 0], sizes = [2048, 1, 32], strides = [1, 1, 1]} : vector<2048x4x32xf32> to vector<2048x1x32xf32>
    %squeeze3A_5 = vector.shape_cast %slice3A_4 : vector<2048x1x32xf32> to vector<2048x32xf32>
    %slice3A_6 = vector.extract_strided_slice %reshape3A {offsets = [0, 3, 0], sizes = [2048, 1, 32], strides = [1, 1, 1]} : vector<2048x4x32xf32> to vector<2048x1x32xf32>
    %squeeze3A_7 = vector.shape_cast %slice3A_6 : vector<2048x1x32xf32> to vector<2048x32xf32>
    %concatenate3A = tpu.concatenate %squeeze3A, %squeeze3A_3, %squeeze3A_5, %squeeze3A_7 in 1 : vector<2048x32xf32>, vector<2048x32xf32>, vector<2048x32xf32>, vector<2048x32xf32> -> vector<2048x128xf32>
    %swap3A = arith.constant 0 : index
    %swap3A_8 = arith.constant 0 : index
    %swap3A_9 = vector.load %arg2[%swap3A, %swap3A_8] : memref<2048x128xf32, #tpu.memory_space<vmem>>, vector<2048x128xf32>
    tpu.vector_store %arg2[%swap3A, %swap3A_8], %concatenate3A {strides = array<i32>} : memref<2048x128xf32, #tpu.memory_space<vmem>>, vector<2048x128xf32>,
    return
  }
  func.func @transform_0(%arg0: i32) -> (i32, i32) {
    %c0_i32 = arith.constant 0 : i32
    %c0_i32_0 = arith.constant 0 : i32
    return %c0_i32, %arg0 : i32, i32
  }
  func.func @transform_1(%arg0: i32) -> (i32, i32) {
    %c0_i32 = arith.constant 0 : i32
    %c0_i32_0 = arith.constant 0 : i32
    return %arg0, %c0_i32 : i32, i32
  }
}

</mosaic_0001>

<sc_bundles>
// kernel: kernel.4.cloned.1.call-start
scs
__scs_entry_jumppad:
0x0: {  	(pc) =	sbr.rel $0x88, $3  }
0x1: {  	(tag) =	ssettag $0x0;
	lr =	simm.s32 $0x1  }
0x2: {  	[smem:$0x3F9F] =	sst lr;
	_ =	strace $0xD0000000  }
0x3: {  	_ = 	snop  }
0x4: {  	_ = 	snop  }
0x5: {  	_ = 	snop  }
0x6: {  	_ = 	snop  }
0x7: {  	_ = 	snop  }
__scs_overlays_trampoline_lowered:
0x8: {  	[smem:$0x3FAE] =	sst s0  }
0x9: {  	[smem:$0x3FAF] =	sst s1  }
0xa: {  	[smem:$0x3FB0] =	sst s2  }
0xb: {  	[smem:$0x3FB1] =	sst s3  }
0xc: {  	[smem:$0x3FB2] =	sst s4  }
0xd: {  	[smem:$0x3FB3] =	sst s5  }
0xe: {  	[smem:$0x3FB4] =	sst s6  }
0xf: {  	[smem:$0x3FB5] =	sst s7  }
0x10: {  	[smem:$0x3FB6] =	sst s8  }
0x11: {  	[smem:$0x3FB7] =	sst s9;
	s0 =	simm.s32 @!p0 $0x0  }
0x12: {  	s1 =	sld [smem:$0x3F9D];
	s0 =	simm.s32 @p0 $0x1  }
0x13: {  	[smem:$0x3FB8] =	sst s0;
	s0 =	simm.s32 @!p1 $0x0  }
0x14: {  	s2 =	sld [smem:$0x3F9C];
	s0 =	simm.s32 @p1 $0x1  }
0x15: {  	[smem:$0x3FB9] =	sst s0;
	s0 =	simm.s32 @!p2 $0x0  }
0x16: {  	s3 =	sld [smem:$0x3FDB];
	s0 =	simm.s32 @p2 $0x1  }
0x17: {  	s4 =	simm.s32 $0x1BF5;
	[smem:$0x3FBB] =	sst s0  }
0x18: {  	s0 =	sld [smem:$0x3F9E];
	_ =	swait.ge [sflag:s4], $0x0  }
0x19: {  	s7 =	sld [smem:$0x3F9F]  }
0x1a: {  	s8 =	sadd.s32 $0xFFFFE003, lr  }
0x1b: {  	s9 =	sadd.s32 $0xFFFFFEF7, lr;
	s5 =	simm.s32 $0xFFFFFFFF;
	p2 =	slt.u32 s8, $0xFFFFF086  }
0x1c: {  	p1 =	slt.u32 s9, $0xF7A;
	s5 =	simm.s32 @!p2 $0x0  }
0x1d: {  	s5 =	simm.s32 @p1 $0x1;
	p0 =	seq.s32 s7, s2  }
0x1e: {  	s7 =	smul.u32 @!p0 $0xF7A, s2;
	p2 =	seq.s32 @!p0 s5, $0x0  }
0x1f: {  	s9 =	smul.u32 $0xF7A, s1;
	s8 =	simm.s32 @!p0 $0x1BF5;
	p2 =	por !p2, p0  }
0x20: {  	[sflag:s8] =	ssyncset.s32 @!p0 $0xFFFFF086;
	s6 =	sadd.s32 @!p0 s3, s7;
	s7 =	simm.s32 @!p0 $0x108  }
0x21: {  	s3 =	sadd.s32 s3, s9;
	s6 =	sadd.s32 @!p0 $0x88, s6;
	s7 =	simm.s32 @p2 $0x1082  }
0x22: {  	[simem:s7], [sflag:s8] =	dma.local @!p0 [hbm:s6], $0xF7A  }
0x23: {  	s9 =	sor.u32 $0xD0000000, s2;
	s6 =	simm.s32 $0x108;
	_ =	swait.ge @!p0 [sflag:s8], $0x0  }
0x24: {  	s3 =	sadd.s32 $0x88, s3;
	s6 =	simm.s32 @!p1 $0x1082;
	[sflag:s4] =	ssyncset.s32 $0xFFFFF086  }
0x25: {  	[simem:s6], [sflag:s4] =	dma.local [hbm:s3], $0xF7A  }
0x26: {  	[smem:$0x3F9F] =	sst s1;
	(tag) =	ssettag s2;
	_ =	strace s9  }
0x27: {  	s1 =	sld [smem:$0x3FAF]  }
0x28: {  	s2 =	sld [smem:$0x3FB0]  }
0x29: {  	s4 =	sld [smem:$0x3FB2]  }
0x2a: {  	p0 =	seq.s32 s5, $0x0;
	s5 =	sld [smem:$0x3FB3]  }
0x2b: {  	s6 =	sld [smem:$0x3FB4]  }
0x2c: {  	s7 =	sld [smem:$0x3FB5]  }
0x2d: {  	s3 =	simm.s32 $0x108;
	s8 =	sld [smem:$0x3FB6]  }
0x2e: {  	s3 =	simm.s32 @!p0 $0x1082;
	s9 =	sld [smem:$0x3FB7]  }
0x2f: {  	lr =	sadd.s32 s0, s3;
	s0 =	sld [smem:$0x3FAE]  }
0x30: {  	s3 =	sld [smem:$0x3FB1]  }
0x31: {  	[smem:$0x3FBA] =	sst s10  }
0x32: {  	s10 =	sld [smem:$0x3FB8];
	_ =	sdelay $0x3  }
0x33: {  	p0 =	seq.s32 s10, $0x1;
	s10 =	sld [smem:$0x3FBA];
	_ =	sdelay $0x3  }
0x34: {  	[smem:$0x3FBA] =	sst s10  }
0x35: {  	s10 =	sld [smem:$0x3FB9];
	_ =	sdelay $0x3  }
0x36: {  	p1 =	seq.s32 s10, $0x1;
	s10 =	sld [smem:$0x3FBA];
	_ =	sdelay $0x3  }
0x37: {  	[smem:$0x3FBA] =	sst s10  }
0x38: {  	s10 =	sld [smem:$0x3FBB]  }
0x39: {  	_ = 	snop;
	(pc) =	sbr.ind lr, $3  }
0x3a: {  	_ = 	snop  }
0x3b: {  	_ = 	snop  }
0x3c: {  	p2 =	seq.s32 s10, $0x1;
	s10 =	sld [smem:$0x3FBA]  }
0x3d: {  	_ =	shalt  }
0x3e: {  	_ =	shalt  }
0x3f: {  	_ =	shalt  }
0x40: {  	_ =	shalt  }
0x41: {  	_ =	shalt  }
0x42: {  	_ =	shalt  }
0x43: {  	_ =	shalt  }
0x44: {  	_ =	shalt  }
0x45: {  	_ =	shalt  }
0x46: {  	_ =	shalt  }
0x47: {  	_ =	shalt  }
0x48: {  	_ =	shalt  }
0x49: {  	_ =	shalt  }
0x4a: {  	_ =	shalt  }
0x4b: {  	_ =	shalt  }
0x4c: {  	_ =	shalt  }
0x4d: {  	_ =	shalt  }
0x4e: {  	_ =	shalt  }
0x4f: {  	_ =	shalt  }
0x50: {  	_ =	shalt  }
0x51: {  	_ =	shalt  }
0x52: {  	_ =	shalt  }
0x53: {  	_ =	shalt  }
0x54: {  	_ =	shalt  }
0x55: {  	_ =	shalt  }
0x56: {  	_ =	shalt  }
0x57: {  	_ =	shalt  }
0x58: {  	_ =	shalt  }
0x59: {  	_ =	shalt  }
0x5a: {  	_ =	shalt  }
0x5b: {  	_ =	shalt  }
0x5c: {  	_ =	shalt  }
0x5d: {  	_ =	shalt  }
0x5e: {  	_ =	shalt  }
0x5f: {  	_ =	shalt  }
0x60: {  	_ =	shalt  }
0x61: {  	_ =	shalt  }
0x62: {  	_ =	shalt  }
0x63: {  	_ =	shalt  }
0x64: {  	_ =	shalt  }
0x65: {  	_ =	shalt  }
0x66: {  	_ =	shalt  }
0x67: {  	_ =	shalt  }
0x68: {  	_ =	shalt  }
0x69: {  	_ =	shalt  }
0x6a: {  	_ =	shalt  }
0x6b: {  	_ =	shalt  }
0x6c: {  	_ =	shalt  }
0x6d: {  	_ =	shalt  }
0x6e: {  	_ =	shalt  }
0x6f: {  	_ =	shalt  }
0x70: {  	_ =	shalt  }
0x71: {  	_ =	shalt  }
0x72: {  	_ =	shalt  }
0x73: {  	_ =	shalt  }
0x74: {  	_ =	shalt  }
0x75: {  	_ =	shalt  }
0x76: {  	_ =	shalt  }
0x77: {  	_ =	shalt  }
0x78: {  	_ =	shalt  }
0x79: {  	_ =	shalt  }
0x7a: {  	_ =	shalt  }
0x7b: {  	_ =	shalt  }
0x7c: {  	_ =	shalt  }
0x7d: {  	_ =	shalt  }
0x7e: {  	_ =	shalt  }
0x7f: {  	_ =	shalt  }
0x80: {  	_ =	shalt  }
0x81: {  	_ =	shalt  }
0x82: {  	_ =	shalt  }
0x83: {  	_ =	shalt  }
0x84: {  	_ =	shalt  }
0x85: {  	_ =	shalt  }
0x86: {  	_ =	shalt  }
0x87: {  	_ =	shalt  }
.Lfunc_end0:
.L_simem_size_0:
called_computation.1_lowered:
.L_overlay_start_0:
0x88: {  	s2 =	sld [smem:$0x3FD9]  }
0x89: {  	s3 =	sld [smem:$0x3FFE];
	_ =	sdelay $0x1  }
0x8a: {  	s1 =	srdreg.scid  }
0x8b: {  	s0 =	sand.u32 $0x1, s1  }
0x8c: {  	s17 =	sshll.u32 s0, $0xA;
	s2 =	sadd.s32 s3, s2  }
0x8d: {  	s2 =	sadd.s32 s2, s17  }
0x8e: {  	[smem:$0x3FC6] =	sst s2  }
0x8f: {  	_ = 	snop  }
0x90: {  	s2 =	sld [smem:$0x3FD0];
	(tm) =	ssettm $0x1  }
0x91: {  	s18 =	sld [smem:$0x3FFB];
	_ =	sdelay $0x3  }
0x92: {  	_ =	strace s18  }
0x93: {  	s3 =	sld [smem:$0x3FFC];
	_ =	sdelay $0x3  }
0x94: {  	_ =	strace s3  }
0x95: {  	s3 =	sld [smem:$0x3FFD];
	_ =	sdelay $0x3  }
0x96: {  	_ =	strace s3  }
0x97: {  	_ =	strace $0x8FFFFFFF  }
0x98: {  	s19 =	sld [smem:$0x3FDB];
	_ =	sdelay $0x1  }
0x99: {  	s4 =	simm.s32 $_scs_section_size  }
0x9a: {  	s5 =	simm.s32 $_size__tile_overlayer_lowered;
	s6 =	simm.s32 $_tile_overlayer_lowered  }
0x9b: {  	s22 =	simm.s32 $0x1BFF;
	s21 =	sshll.u32 s6, $0x1;
	s3 =	sadd.s32 s4, s19  }
0x9c: {  	s7 =	simm.s32 $0x0;
	s20 =	sshll.u32 s5, $0x1;
	s5 =	sadd.s32 s21, s3  }
0x9d: {  	[timem:s7], [sflag:s22] =	dma.local [hbm:s5], s20  }
0x9e: {  	_ =	swait.ge [sflag:s22], s20  }
0x9f: {  	s4 =	ssub.s32 $0x0, s20;
	[sflag:s22] =	ssyncset.done $0x0  }
0xa0: {  	[sflag:s22] =	ssyncadd.s32 s4;
	_ =	sdelay $0x1  }
0xa1: {  	s23 =	simm.s32 $0x1B8B  }
0xa2: {  	_ =	swait.ge [sflag:s23], $0x1  }
0xa3: {  	[sflag:s23] =	ssyncset.done $0x0  }
0xa4: {  	s25 =	simm.s32 $0x1B8E;
	s24 =	sld [smem:$0x3FFE];
	[sflag:s23] =	ssyncadd.s32 $0xFFFFFFFF  }
0xa5: {  	s26 =	simm.s32 $execute0_lowered;
	[smem:$0x3FD2] =	sst s25  }
0xa6: {  	s5 =	sshll.u32 s26, $0x1;
	_ =	strace $0x80000046;
	[dreg:$0x1] =	wrdreg $0xFFFFFFFF  }
0xa7: {  	s28 =	simm.s32 $_size_execute0_lowered;
	s3 =	sadd.s32 s3, s5;
	[dreg:$0x0] =	wrdreg $0x0  }
0xa8: {  	s5 =	sshll.u32 s28, $0x1;
	[dreg:$0x2] =	wrdreg s3  }
0xa9: {  	[dreg:$0x3] =	wrdreg s5  }
0xaa: {  	[dreg:$0x4] =	wrdreg $0xC0  }
0xab: {  	_ =	task [dreg:s7], $0x5FFFF  }
0xac: {  	[dreg:$0x1] =	wrdreg $0xFFFFFFFF  }
0xad: {  	[dreg:$0x0] =	wrdreg $0x60  }
0xae: {  	[dreg:$0x2] =	wrdreg s24  }
0xaf: {  	[dreg:$0x3] =	wrdreg s2  }
0xb0: {  	[dreg:$0x4] =	wrdreg $0x9  }
0xb1: {  	_ =	task.clear_ibuf [dreg:s7], $0x5FFFF;
	_ =	strace $0x90000046  }
0xb2: {  	s29 =	simm.s32 $0x9;
	_ =	strace $0x80000048  }
0xb3: {  	_ =	swait.ge [sflag:s29], $0x1  }
0xb4: {  	[sflag:s29] =	ssyncadd.s32 $0xFFFFFFFF  }
0xb5: {  	_ =	strace $0x90000048  }
0xb6: {  	_ =	sfence  }
0xb7: {  	s30 =	sld [smem:$0x0];
	_ =	sdelay $0x2  }
0xb8: {  	s31 =	sshll.u32 s1, $0xD;
	s1 =	sshrl.u32 s1, $0x2  }
0xb9: {  	s3 =	sand.u32 $0x4000, s31;
	s1 =	sadd.s32 s1, s30  }
0xba: {  	s0 =	sor.u32 s3, s0;
	s1 =	sshll.u32 s1, $0x11  }
0xbb: {  	s0 =	sor.u32 s1, s0  }
0xbc: {  	s0 =	sadd.s32 $0x8F2B, s0  }
0xbd: {  	[sflag:s0] =	ssyncadd.remote.s32 $0x1  }
0xbe: {  	_ =	sfence.sel $0xFFFF  }
0xbf: {  	[dreg:$0x0] =	wrdreg $0xFFFFFFFF;
	(pc) =	sbr.abs _section_cstart, $3  }
0xc0: {  	[dreg:$0x1] =	wrdreg $0xFFFFFFFF  }
0xc1: {  	_ =	task.clear_ibuf [dreg:s7], $0x2FFFF;
	_ =	strace $0x9FFFFFFF  }
0xc2: {  	(tm) =	ssettm $0x7FFFFFFF  }
0xc3: {  	_ =	shalt  }
tec
execute0_lowered:
.L_overlay_start_1:
0x0: {  	(tag) =	ssettag $0x1  }
0x1: {  	s0 =	srdreg.scid;
	s1 =	rddreg [dreg:$0x0]  }
0x2: {  	s10 =	stileid.u32;
	s13 =	rddreg [dreg:$0x1];
	s15 =	simm.s32 $0x280  }
0x3: {  	s16 =	simm.s32 $0x6400;
	s17 =	simm.s32 $0xB400;
	s19 =	simm.s32 $0x10400  }
0x4: {  	s21 =	simm.s32 $0x15400;
	s22 =	simm.s32 $0x1;
	s23 =	simm.s32 $0x5  }
0x5: {  	s24 =	simm.s32 $0x2;
	s28 =	simm.s32 $0x7;
	s6 =	smul.u32 $0xC800, s10  }
0x6: {  	s29 =	simm.s32 $0x4;
	s0 =	sand.u32 $0x1, s0;
	s14 =	smul.u32 $0x32000, s10  }
0x7: {  	s30 =	simm.s32 $0x8;
	s2 =	sshll.u32 s10, $0x1;
	s9 =	smul.u32 $0x6400, s0  }
0x8: {  	s3 =	sor.u32 s0, s2;
	s5 =	ssub.s32 $0x2, s0;
	s0 =	smul.u32 $0x19000, s0  }
0x9: {  	s31 =	simm.s32 $0x0;
	s2 =	simm.s32 $0x0;
	s4 =	smul.u32 $0x6400, s3  }
0xa: {  	[smem:$0x7FF] =	sst s2;
	s3 =	smul.u32 $0xC8000, s3;
	s7 =	sshrl.u32 s5, $0x1  }
0xb: {  	s26 =	sadd.s32 s14, s13;
	s14 =	simm.s32 $0x9;
	_ =	strace $0x80000047  }
0xc: {  	s25 =	ssub.s32 s5, s7;
	s9 =	sadd.s32 s9, s6;
	s4 =	sshrl.u32 s4, $0x3  }
0xd: {  	s8 =	sshrl.u32 s3, $0x3;
	s3 =	sadd.s32 $0x19800, s1;
	s9 =	sshll.u32 s9, $0x2  }
0xe: {  	s4 =	sadd.s32 s4, s1;
	s8 =	sadd.s32 s13, s8;
	s12 =	sadd.s32 s9, s13  }
0xf: {  	s9 =	smax.u32 s25, $0x1;
	s13 =	sadd.s32 s0, s26;
	s25 =	simm.s32 $0x6  }
0x10: {  	s26 =	simm.s32 $0x3;
	s4 =	sadd.s32 $0x800, s4;
	s5 =	sadd.s32 $0x16800, s8  }
0x11: {  	s6 =	sadd.s32 $0x17200, s8;
	s7 =	sadd.s32 $0x17C00, s8;
	s8 =	sadd.s32 $0x18600, s8  }
0x12: {  	s10 =	sadd.s32 $0x1E00, s12;
	s11 =	sadd.s32 $0x1400, s12;
	s12 =	sadd.s32 $0xA00, s12  }
.LBB2_1:
0x13: {  	[tilespmem:s2], [sflag:$0x9] =	stream.linear.gather [hbm4b:s4+s2], $0x6400, $0x38;
	[tilespmem:$0x1A400] =	vst v63  }
0x14: {  	_ =	swait.ge [sflag:s14], $0x6400  }
0x15: {  	[sflag:s14] =	ssyncset.done $0x0  }
0x16: {  	[sflag:s14] =	ssyncadd.s32 $0xFFFF9C00  }
0x17: {  	[tilespmem:s16], [sflag:$0x1] =	stream.indirect.gather [hbm4b:s3+s15], $0x20, s2, s15, $0xb8;
	[tilespmem:$0x1A400] =	vst v63  }
0x18: {  	_ = 	snop  }
0x19: {  	[tilespmem:s17], [sflag:$0x2] =	stream.indirect.gather [hbm4b:s3+s15], $0x20, s15, s15, $0xb8;
	[tilespmem:$0x1A400] =	vst v63  }
0x1a: {  	s0 =	simm.s32 $0x500  }
0x1b: {  	[tilespmem:s19], [sflag:$0x3] =	stream.indirect.gather [hbm4b:s3+s15], $0x20, s0, s15, $0xb8;
	[tilespmem:$0x1A400] =	vst v63  }
0x1c: {  	s18 =	simm.s32 $0x780  }
0x1d: {  	[tilespmem:s21], [sflag:$0x4] =	stream.indirect.gather [hbm4b:s3+s15], $0x20, s18, s15, $0xb8;
	[tilespmem:$0x1A400] =	vst v63  }
0x1e: {  	_ =	swait.ge [sflag:s22], $0x5000  }
0x1f: {  	[sflag:s22] =	ssyncset.done $0x0  }
0x20: {  	s20 =	sadd.s32 $0x0, s13;
	[sflag:s22] =	ssyncadd.s32 $0xFFFFB000  }
0x21: {  	[hbm4b:s20+s2] =	stream.linear.scatter [tilespmem:s16], [sflag:$0x5], $0x5000, $0x38;
	[tilespmem:$0x1A400] =	vst v63  }
0x22: {  	_ =	swait.ge [sflag:s23], $0x5000  }
0x23: {  	[sflag:s23] =	ssyncset.done $0x0  }
0x24: {  	s1 =	simm.s32 $0xA00;
	[sflag:s23] =	ssyncadd.s32 $0xFFFFB000  }
0x25: {  	[tilespmem:s16], [sflag:$0x1] =	stream.indirect.gather [hbm4b:s3+s15], $0x20, s1, s15, $0xb8;
	[tilespmem:$0x1A400] =	vst v63  }
0x26: {  	_ =	swait.ge [sflag:s24], $0x5000  }
0x27: {  	[sflag:s24] =	ssyncset.done $0x0  }
0x28: {  	s18 =	sadd.s32 $0x0, s12;
	[sflag:s24] =	ssyncadd.s32 $0xFFFFB000  }
0x29: {  	[hbm4b:s18+s2] =	stream.linear.scatter [tilespmem:s17], [sflag:$0x6], $0x5000, $0x38;
	[tilespmem:$0x1A400] =	vst v63  }
0x2a: {  	_ =	swait.ge [sflag:s25], $0x5000  }
0x2b: {  	[sflag:s25] =	ssyncset.done $0x0  }
0x2c: {  	s20 =	simm.s32 $0xC80;
	[sflag:s25] =	ssyncadd.s32 $0xFFFFB000  }
0x2d: {  	[tilespmem:s17], [sflag:$0x2] =	stream.indirect.gather [hbm4b:s3+s15], $0x20, s20, s15, $0xb8;
	[tilespmem:$0x1A400] =	vst v63  }
0x2e: {  	_ =	swait.ge [sflag:s26], $0x5000  }
0x2f: {  	[sflag:s26] =	ssyncset.done $0x0  }
0x30: {  	s1 =	sadd.s32 $0x0, s11;
	[sflag:s26] =	ssyncadd.s32 $0xFFFFB000  }
0x31: {  	[hbm4b:s1+s2] =	stream.linear.scatter [tilespmem:s19], [sflag:$0x7], $0x5000, $0x38;
	[tilespmem:$0x1A400] =	vst v63  }
0x32: {  	_ =	swait.ge [sflag:s28], $0x5000  }
0x33: {  	[sflag:s28] =	ssyncset.done $0x0  }
0x34: {  	s18 =	simm.s32 $0xF00;
	[sflag:s28] =	ssyncadd.s32 $0xFFFFB000  }
0x35: {  	[tilespmem:s19], [sflag:$0x3] =	stream.indirect.gather [hbm4b:s3+s15], $0x20, s18, s15, $0xb8;
	[tilespmem:$0x1A400] =	vst v63  }
0x36: {  	_ =	swait.ge [sflag:s29], $0x5000  }
0x37: {  	[sflag:s29] =	ssyncset.done $0x0  }
0x38: {  	s20 =	sadd.s32 $0x0, s10;
	[sflag:s29] =	ssyncadd.s32 $0xFFFFB000  }
0x39: {  	[hbm4b:s20+s2] =	stream.linear.scatter [tilespmem:s21], [sflag:$0x8], $0x5000, $0x38;
	[tilespmem:$0x1A400] =	vst v63  }
0x3a: {  	_ =	swait.ge [sflag:s30], $0x5000  }
0x3b: {  	[sflag:s30] =	ssyncset.done $0x0  }
0x3c: {  	s0 =	simm.s32 $0x1180;
	s1 =	simm.s32 $0x2800;
	[sflag:s30] =	ssyncadd.s32 $0xFFFFB000  }
.LBB2_2:
0x3d: {  	[tilespmem:s21], [sflag:$0x4] =	stream.indirect.gather [hbm4b:s3+s15], $0x20, s0, s15, $0xb8;
	[tilespmem:$0x1A400] =	vst v63  }
0x3e: {  	s0 =	smov.u32 s1  }
0x3f: {  	p0 =	sne.s32 s1, $0x14000;
	s1 =	sadd.s32 $0x2800, s1;
	_ =	swait.ge [sflag:s22], $0x5000  }
0x40: {  	[sflag:s22] =	ssyncset.done $0x0  }
0x41: {  	s18 =	sadd.s32 s0, s13;
	[sflag:s22] =	ssyncadd.s32 $0xFFFFB000  }
0x42: {  	[hbm4b:s18+s2] =	stream.linear.scatter [tilespmem:s16], [sflag:$0x5], $0x5000, $0x38;
	[tilespmem:$0x1A400] =	vst v63  }
0x43: {  	_ =	swait.ge [sflag:s23], $0x5000  }
0x44: {  	s18 =	sshra.s32 s0, $0x2;
	[sflag:s23] =	ssyncset.done $0x0  }
0x45: {  	s20 =	sadd.s32 $0xA00, s18;
	[sflag:s23] =	ssyncadd.s32 $0xFFFFB000  }
0x46: {  	[tilespmem:s16], [sflag:$0x1] =	stream.indirect.gather [hbm4b:s3+s15], $0x20, s20, s15, $0xb8;
	[tilespmem:$0x1A400] =	vst v63  }
0x47: {  	_ =	swait.ge [sflag:s24], $0x5000  }
0x48: {  	[sflag:s24] =	ssyncset.done $0x0  }
0x49: {  	s20 =	sadd.s32 s0, s12;
	[sflag:s24] =	ssyncadd.s32 $0xFFFFB000  }
0x4a: {  	[hbm4b:s20+s2] =	stream.linear.scatter [tilespmem:s17], [sflag:$0x6], $0x5000, $0x38;
	[tilespmem:$0x1A400] =	vst v63  }
0x4b: {  	_ =	swait.ge [sflag:s25], $0x5000  }
0x4c: {  	[sflag:s25] =	ssyncset.done $0x0  }
0x4d: {  	s20 =	sadd.s32 $0xC80, s18;
	[sflag:s25] =	ssyncadd.s32 $0xFFFFB000  }
0x4e: {  	[tilespmem:s17], [sflag:$0x2] =	stream.indirect.gather [hbm4b:s3+s15], $0x20, s20, s15, $0xb8;
	[tilespmem:$0x1A400] =	vst v63  }
0x4f: {  	_ =	swait.ge [sflag:s26], $0x5000  }
0x50: {  	[sflag:s26] =	ssyncset.done $0x0  }
0x51: {  	s20 =	sadd.s32 s0, s11;
	[sflag:s26] =	ssyncadd.s32 $0xFFFFB000  }
0x52: {  	[hbm4b:s20+s2] =	stream.linear.scatter [tilespmem:s19], [sflag:$0x7], $0x5000, $0x38;
	[tilespmem:$0x1A400] =	vst v63  }
0x53: {  	_ =	swait.ge [sflag:s28], $0x5000  }
0x54: {  	[sflag:s28] =	ssyncset.done $0x0  }
0x55: {  	s20 =	sadd.s32 $0xF00, s18;
	[sflag:s28] =	ssyncadd.s32 $0xFFFFB000  }
0x56: {  	[tilespmem:s19], [sflag:$0x3] =	stream.indirect.gather [hbm4b:s3+s15], $0x20, s20, s15, $0xb8;
	[tilespmem:$0x1A400] =	vst v63  }
0x57: {  	_ =	swait.ge [sflag:s29], $0x5000  }
0x58: {  	[sflag:s29] =	ssyncset.done $0x0  }
.Ltmp0:
0x59: {  	s0 =	sadd.s32 s0, s10;
	[sflag:s29] =	ssyncadd.s32 $0xFFFFB000;
	(pc) =	sbr.rel @p0 .LBB2_2-.Ltmp0, $4  }
0x5a: {  	[hbm4b:s0+s2] =	stream.linear.scatter [tilespmem:s21], [sflag:$0x8], $0x5000, $0x38;
	[tilespmem:$0x1A400] =	vst v63  }
0x5b: {  	_ =	swait.ge [sflag:s30], $0x5000  }
0x5c: {  	[sflag:s30] =	ssyncset.done $0x0  }
0x5d: {  	s0 =	sadd.s32 $0x1180, s18;
	[sflag:s30] =	ssyncadd.s32 $0xFFFFB000  }
0x5e: {  	[tilespmem:s21], [sflag:$0x4] =	stream.indirect.gather [hbm4b:s3+s15], $0x20, s0, s15, $0xb8;
	[tilespmem:$0x1A400] =	vst v63  }
0x5f: {  	_ =	swait.ge [sflag:s22], $0x5000  }
0x60: {  	[sflag:s22] =	ssyncset.done $0x0  }
0x61: {  	[sflag:s22] =	ssyncadd.s32 $0xFFFFB000  }
0x62: {  	[hbm4b:s5+s2] =	stream.linear.scatter [tilespmem:s16], [sflag:$0x5], $0x5000, $0x38;
	[tilespmem:$0x1A400] =	vst v63  }
0x63: {  	_ =	swait.ge [sflag:s24], $0x5000  }
0x64: {  	[sflag:s24] =	ssyncset.done $0x0  }
0x65: {  	[sflag:s24] =	ssyncadd.s32 $0xFFFFB000  }
0x66: {  	[hbm4b:s6+s2] =	stream.linear.scatter [tilespmem:s17], [sflag:$0x6], $0x5000, $0x38;
	[tilespmem:$0x1A400] =	vst v63  }
0x67: {  	_ =	swait.ge [sflag:s26], $0x5000  }
0x68: {  	[sflag:s26] =	ssyncset.done $0x0  }
0x69: {  	[sflag:s26] =	ssyncadd.s32 $0xFFFFB000  }
0x6a: {  	[hbm4b:s7+s2] =	stream.linear.scatter [tilespmem:s19], [sflag:$0x7], $0x5000, $0x38;
	[tilespmem:$0x1A400] =	vst v63  }
0x6b: {  	_ =	swait.ge [sflag:s29], $0x5000  }
0x6c: {  	[sflag:s29] =	ssyncset.done $0x0  }
0x6d: {  	[sflag:s29] =	ssyncadd.s32 $0xFFFFB000  }
0x6e: {  	[hbm4b:s8+s2] =	stream.linear.scatter [tilespmem:s21], [sflag:$0x8], $0x5000, $0x38;
	[tilespmem:$0x1A400] =	vst v63  }
0x6f: {  	_ =	swait.ge [sflag:s23], $0x5000  }
0x70: {  	[sflag:s23] =	ssyncset.done $0x0  }
0x71: {  	[sflag:s23] =	ssyncadd.s32 $0xFFFFB000  }
0x72: {  	_ =	swait.ge [sflag:s25], $0x5000  }
0x73: {  	[sflag:s25] =	ssyncset.done $0x0  }
0x74: {  	s31 =	sadd.s32 $0x1, s31;
	[sflag:s25] =	ssyncadd.s32 $0xFFFFB000  }
0x75: {  	p0 =	sne.s32 s31, s9;
	_ =	swait.ge [sflag:s28], $0x5000  }
.Ltmp1:
0x76: {  	[sflag:s28] =	ssyncset.done $0x0;
	(pc) =	sbr.rel @p0 .LBB2_1-.Ltmp1, $4  }
0x77: {  	[sflag:s28] =	ssyncadd.s32 $0xFFFFB000  }
0x78: {  	_ =	swait.ge [sflag:s30], $0x5000  }
0x79: {  	[sflag:s30] =	ssyncset.done $0x0  }
0x7a: {  	[sflag:s30] =	ssyncadd.s32 $0xFFFFB000  }
0x7b: {  	_ =	sfence.sel $0x180000  }
0x7c: {  	[bflag:$0x0] =	sbarrier.arrive $0xFFFF  }
0x7d: {  	_ =	strace $0x90000047  }
0x7e: {  	s0 =	stileid.u32;
	[bflag:$0x2] =	sbarrier.arrive $0xFFFF  }
0x7f: {  	p0 =	sne.s32 s0, $0x0;
	s0 =	rddreg [dreg:$0x2]  }
0x80: {  	s0 =	sadd.s32 @!p0 $0x100000, s0  }
0x81: {  	[sflag:s0] =	ssyncadd.tile.s32 @!p0 $0x1;
	_ =	shalt  }
.Lfunc_end2:
_tile_overlayer_lowered:
.L_overlay_start_2:
0x82: {  	(tag) =	ssettag $0x2  }
0x83: {  	s0 =	rddreg [dreg:$0x0];
	s2 =	stileid.u32  }
0x84: {  	s1 =	rddreg [dreg:$0x1];
	p0 =	sne.s32 s2, $0x0  }
0x85: {  	s3 =	rddreg [dreg:$0x2];
	[bflag:$0x3] =	sbarrier.arrive $0xFFFF;
	s2 =	simm.s32 @!p0 $0x1C09  }
0x86: {  	[timem:s3], [sflag:s2] =	dma.local @!p0 [hbm:s0], s1  }
0x87: {  	s0 =	simm.s32 @!p0 $0x9  }
0x88: {  	_ =	swait.ge @!p0 [sflag:s0], s1  }
0x89: {  	s1 =	ssub.s32 @!p0 $0x0, s1;
	[sflag:s0] =	ssyncset.done @!p0 $0x0  }
0x8a: {  	[sflag:s0] =	ssyncadd.s32 @!p0 s1  }
0x8b: {  	[bflag:$0x3] =	sbarrier.arrive $0xFFFF  }
0x8c: {  	_ =	shalt  }

// kernel: sparse-core-data-format-call.cloned.1.call-start
scs
called_computation_lowered:
.L_overlay_start_0:
0x0: {  	s2 =	sld [smem:$0x3FD9]  }
0x1: {  	s3 =	sld [smem:$0x3FFE];
	_ =	sdelay $0x1  }
0x2: {  	s1 =	srdreg.scid  }
0x3: {  	s0 =	sand.u32 $0x1, s1  }
0x4: {  	s18 =	sshll.u32 s0, $0xA;
	s2 =	sadd.s32 s3, s2  }
0x5: {  	s2 =	sadd.s32 s2, s18  }
0x6: {  	[smem:$0x3FC6] =	sst s2  }
0x7: {  	_ = 	snop  }
0x8: {  	s2 =	sld [smem:$0x3FD0];
	(tm) =	ssettm $0x1  }
0x9: {  	s19 =	sld [smem:$0x3FFB];
	_ =	sdelay $0x3  }
0xa: {  	_ =	strace s19  }
0xb: {  	s3 =	sld [smem:$0x3FFC];
	_ =	sdelay $0x3  }
0xc: {  	_ =	strace s3  }
0xd: {  	s3 =	sld [smem:$0x3FFD];
	_ =	sdelay $0x3  }
0xe: {  	_ =	strace s3  }
0xf: {  	_ =	strace $0x8FFFFFFF  }
0x10: {  	s20 =	sld [smem:$0x3FDB];
	_ =	sdelay $0x1  }
0x11: {  	s4 =	simm.s32 $_scs_section_size  }
0x12: {  	s5 =	simm.s32 $_size__tile_overlayer_lowered;
	s6 =	simm.s32 $_tile_overlayer_lowered  }
0x13: {  	s23 =	simm.s32 $0x1BFF;
	s22 =	sshll.u32 s6, $0x1;
	s3 =	sadd.s32 s4, s20  }
0x14: {  	s7 =	simm.s32 $0x0;
	s21 =	sshll.u32 s5, $0x1;
	s5 =	sadd.s32 s22, s3  }
0x15: {  	[timem:s7], [sflag:s23] =	dma.local [hbm:s5], s21  }
0x16: {  	_ =	swait.ge [sflag:s23], s21  }
0x17: {  	s4 =	ssub.s32 $0x0, s21;
	[sflag:s23] =	ssyncset.done $0x0  }
0x18: {  	[sflag:s23] =	ssyncadd.s32 s4;
	_ =	sdelay $0x1  }
0x19: {  	s24 =	simm.s32 $0x1B8B  }
0x1a: {  	_ =	swait.ge [sflag:s24], $0x1  }
0x1b: {  	[sflag:s24] =	ssyncset.done $0x0  }
0x1c: {  	s26 =	simm.s32 $0x1B8E;
	s25 =	sld [smem:$0x3FFE];
	[sflag:s24] =	ssyncadd.s32 $0xFFFFFFFF  }
0x1d: {  	s27 =	simm.s32 $execute0_lowered;
	[smem:$0x3FD2] =	sst s26  }
0x1e: {  	s5 =	sshll.u32 s27, $0x1;
	_ =	strace $0x80000049;
	[dreg:$0x1] =	wrdreg $0xFFFFFFFF  }
0x1f: {  	s28 =	simm.s32 $_size_execute0_lowered;
	s3 =	sadd.s32 s3, s5;
	[dreg:$0x0] =	wrdreg $0x0  }
0x20: {  	s5 =	sshll.u32 s28, $0x1;
	[dreg:$0x2] =	wrdreg s3  }
0x21: {  	[dreg:$0x3] =	wrdreg s5  }
0x22: {  	[dreg:$0x4] =	wrdreg $0xC0  }
0x23: {  	_ =	task [dreg:s7], $0x5FFFF  }
0x24: {  	[dreg:$0x1] =	wrdreg $0xFFFFFFFF  }
0x25: {  	[dreg:$0x0] =	wrdreg $0x60  }
0x26: {  	[dreg:$0x2] =	wrdreg s25  }
0x27: {  	[dreg:$0x3] =	wrdreg s2  }
0x28: {  	[dreg:$0x4] =	wrdreg $0x9  }
0x29: {  	_ =	task.clear_ibuf [dreg:s7], $0x5FFFF;
	_ =	strace $0x90000049  }
0x2a: {  	s29 =	simm.s32 $0x9;
	_ =	strace $0x8000004B  }
0x2b: {  	_ =	swait.ge [sflag:s29], $0x1  }
0x2c: {  	[sflag:s29] =	ssyncadd.s32 $0xFFFFFFFF  }
0x2d: {  	_ =	strace $0x9000004B  }
0x2e: {  	_ =	sfence  }
0x2f: {  	s30 =	sld [smem:$0x0];
	_ =	sdelay $0x2  }
0x30: {  	s31 =	sshll.u32 s1, $0xD;
	s1 =	sshrl.u32 s1, $0x2  }
0x31: {  	s3 =	sand.u32 $0x4000, s31;
	s1 =	sadd.s32 s1, s30  }
0x32: {  	s0 =	sor.u32 s3, s0;
	s1 =	sshll.u32 s1, $0x11  }
0x33: {  	s0 =	sor.u32 s1, s0  }
0x34: {  	s0 =	sadd.s32 $0x8F2B, s0  }
0x35: {  	[sflag:s0] =	ssyncadd.remote.s32 $0x1  }
0x36: {  	_ =	sfence.sel $0xFFFF  }
0x37: {  	[dreg:$0x0] =	wrdreg $0xFFFFFFFF;
	(pc) =	sbr.abs _section_cstart, $3  }
0x38: {  	[dreg:$0x1] =	wrdreg $0xFFFFFFFF  }
0x39: {  	_ =	task.clear_ibuf [dreg:s7], $0x2FFFF;
	_ =	strace $0x9FFFFFFF  }
0x3a: {  	(tm) =	ssettm $0x7FFFFFFF  }
0x3b: {  	_ =	shalt  }
tec
execute0_lowered:
.L_overlay_start_1:
0x0: {  	(tag) =	ssettag $0x1  }
0x1: {  	s0 =	srdreg.scid  }
0x2: {  	s1 =	sshll.u32 s0, $0x4  }
0x3: {  	s0 =	stileid.u32;
	s1 =	sand.u32 $0x10, s1  }
0x4: {  	s1 =	sor.u32 s0, s1  }
0x5: {  	s6 =	rddreg [dreg:$0x0];
	s4 =	simm.s32 $0x1;
	s2 =	sshll.u32 s1, $0x7  }
0x6: {  	s7 =	simm.s32 $0x2;
	s12 =	simm.s32 $0x0;
	s1 =	ssub.s32 $0x1000, s2  }
0x7: {  	s8 =	simm.s32 $0x8000;
	s13 =	simm.s32 $0x0;
	s3 =	sand.u32 $0xF80, s1  }
0x8: {  	s9 =	simm.s32 $0x0;
	s5 =	sshrl.u32 s1, $0xC;
	p0 =	sne.s32 s3, $0x0  }
.Ltmp0:
0x9: {  	s1 =	rddreg [dreg:$0x2];
	s4 =	simm.s32 @!p0 $0x0;
	(pc) =	sbr.rel .LBB1_1-.Ltmp0, $4  }
0xa: {  	s11 =	simm.s32 $0x0;
	s3 =	rddreg [dreg:$0x1];
	s5 =	sadd.s32 s4, s5  }
0xb: {  	_ =	strace $0x8000004A;
	s4 =	simm.s32 $0x1;
	s5 =	smul.u32 $0xC8, s5  }
0xc: {  	s6 =	sadd.s32 $0x800, s6;
	s10 =	smov.u32 s2;
	[sflag:s4] =	ssyncpa.u1 $0x0  }
0xd: {  	p0 =	por $0x0, $0x0;
	[sflag:s7] =	ssyncpa.u1 $0x0;
	s7 =	sor.u32 $0x1, s5  }
.LBB1_4:
0xe: {  	s16 =	sshll.u32 s13, $0x3;
	s17 =	sand.u32 $0x78, s13  }
0xf: {  	s30 =	sand.u32 $0x3E00, s13;
	s12 =	sshll.u32 s12, $0xE;
	s16 =	sand.u32 $0xC00, s16  }
0x10: {  	s31 =	sand.u32 $0x7, s13;
	s16 =	sor.u32 s17, s16;
	s17 =	sadd.s32 s3, s30  }
0x11: {  	s13 =	sshll.u32 s31, $0x12;
	s16 =	sshrl.u32 s16, $0x3;
	s12 =	sadd.s32 s12, s17  }
0x12: {  	[tilespmem:s15+$0x0 ss:$0x81] =	vst.msk $0xffff, v0;
	s13 =	sor.u32 $0x400, s13;
	s12 =	sadd.s32 s16, s12  }
0x13: {  	[hbm4b:s12+s13] =	stream.strided.scatter [tilespmem:s14], [sflag:$0x2], $0x1000, s8, s13, $0x20;
	[tilespmem:$0x4040] =	vst v63  }
.LBB1_5:
0x14: {  	s14 =	sadd.s32 $0x1, s9  }
0x15: {  	s12 =	sadd.s32 $0x1000, s10;
	s16 =	smov.u32 s10;
	p2 =	sgt.s32 s14, $0xC7  }
0x16: {  	s16 =	smov.u32 @p2 s12  }
0x17: {  	s14 =	simm.s32 @p2 $0x0;
	p2 =	sgt.s32 s16, $0xFFF  }
0x18: {  	s16 =	smov.u32 @p2 s2;
	p2 =	sne.s32 s11, s7  }
.Ltmp1:
0x19: {  	p1 =	slt.u32 s11, $0x2;
	(pc) =	sbr.rel @!p2 .LBB1_6-.Ltmp1, $4  }
0x1a: {  	s15 =	simm.s32 @!p1 $0x2  }
0x1b: {  	s13 =	smov.u32 s10;
	p0 =	por !p0, !p0;
	_ =	swait.ge @!p1 [sflag:s15], $0x1000  }
0x1c: {  	s12 =	smov.u32 s9;
	[sflag:s15] =	ssyncset.done @!p1 $0x0;
	s9 =	smov.u32 s14  }
0x1d: {  	s11 =	sadd.s32 $0x1, s11;
	[sflag:s15] =	ssyncadd.s32 @!p1 $0xFFFFF000;
	s10 =	smov.u32 s16  }
.LBB1_1:
0x1e: {  	p1 =	sge.u32 s11, s5  }
0x1f: {  	s14 =	sand.u32 @!p1 $0x1FFFFFF, s9  }
0x20: {  	s15 =	smulhi.u32 @!p1 $0x147AE15, s14;
	_ =	sdelay $0x1  }
0x21: {  	s15 =	smul.u32 @!p1 $0xC8, s15  }
0x22: {  	s16 =	sxor.u32 @!p1 $0xFFFFFFFF, s11;
	s17 =	smul.u32 @!p1 $0xC80, s10  }
0x23: {  	s31 =	sadd.s32 $0xFFFFFFFF, s11;
	s16 =	sshll.u32 @!p1 s16, $0xC;
	s14 =	ssub.s32 @!p1 s14, s15  }
0x24: {  	s15 =	sand.u32 @!p1 $0x1000, s16;
	s16 =	sadd.s32 @!p1 s6, s17;
	s14 =	sshll.u32 @!p1 s14, $0x4  }
0x25: {  	s17 =	simm.s32 @!p1 $0x6400;
	s14 =	sadd.s32 @!p1 s14, s16;
	s16 =	simm.s32 @!p1 $0x20  }
0x26: {  	[tilespmem:s15], [sflag:$0x1] =	stream.strided.gather @!p1 [hbm4b:s14+s16], $0x1000, s17, s16, $0x38;
	[tilespmem:$0x4040] =	vst v63  }
0x27: {  	p1 =	sge.u32 s31, s5  }
.Ltmp2:
0x28: {  	_ = 	snop;
	(pc) =	sbr.rel @p1 .LBB1_5-.Ltmp2, $1  }
0x29: {  	_ =	sdelay $0x3  }
0x2a: {  	s14 =	simm.s32 $0x1  }
0x2b: {  	_ =	swait.ge [sflag:s4], $0x1000;
	s14 =	simm.s32 @!p0 $0x0  }
0x2c: {  	[sflag:s4] =	ssyncset.done $0x0;
	s15 =	sshll.u32 s14, $0xC  }
0x2d: {  	[sflag:s4] =	ssyncadd.s32 $0xFFFFF000;
	s18 =	sor.u32 $0x10, s15  }
0x2e: {  	s14 =	smul.u32 $0x4080, s14;
	v1 =	vld [tilespmem:s18+$0x0]  }
0x2f: {  	s30 =	sand.u32 $0x1, s11;
	v0 =	vld [tilespmem:s18+$0xFFFFFFF0]  }
0x30: {  	s15 =	smul.u32 $0x4080, s30;
	s14 =	sshrl.u32 s14, $0x2  }
0x31: {  	s16 =	sor.u32 $0x2000, s14  }
0x32: {  	s31 =	sshrl.u32 s15, $0x2;
	s15 =	sadd.s32 $0x0, s16  }
0x33: {  	s17 =	simm.s32 $0x4;
	s18 =	sadd.s32 $0x20, s18;
	s14 =	sor.u32 $0x2000, s31;
	[tilespmem:s15+$0x810 ss:$0x81] =	vst.msk $0xffff, v1  }
.LBB1_3:
0x34: {  	v1 =	vld [tilespmem:s18+$0x0];
	p1 =	sne.s32 s17, $0x1FC;
	[tilespmem:s15+$0x0 ss:$0x81] =	vst.msk $0xffff, v0;
	s15 =	smov.u32 s17;
	s17 =	sadd.s32 $0x4, s17  }
.Ltmp3:
0x35: {  	v0 =	vld [tilespmem:s18+$0xFFFFFFF0];
	(pc) =	sbr.rel @p1 .LBB1_3-.Ltmp3, $4  }
0x36: {  	_ = 	snop  }
0x37: {  	s15 =	sshra.s32 s15, $0x2  }
0x38: {  	s15 =	sadd.s32 s15, s16  }
0x39: {  	s18 =	sadd.s32 $0x20, s18;
	[tilespmem:s15+$0x810 ss:$0x81] =	vst.msk $0xffff, v1  }
.Ltmp4:
0x3a: {  	_ = 	snop;
	(pc) =	sbr.rel .LBB1_4-.Ltmp4, $1  }
0x3b: {  	_ =	sdelay $0x3  }
.LBB1_6:
0x3c: {  	_ =	sfence.sel $0x180000  }
0x3d: {  	s2 =	simm.s32 $0x1;
	[bflag:$0x0] =	sbarrier.arrive $0xFFFF  }
0x3e: {  	s31 =	simm.s32 $0x2;
	[sflag:s2] =	ssyncpa.u1 $0x1  }
0x3f: {  	[sflag:s31] =	ssyncpa.u1 $0x1  }
0x40: {  	p0 =	sne.s32 s0, $0x0;
	_ =	strace $0x9000004A  }
0x41: {  	s0 =	sadd.s32 @!p0 $0x100000, s1;
	[bflag:$0x2] =	sbarrier.arrive $0xFFFF  }
0x42: {  	[sflag:s0] =	ssyncadd.tile.s32 @!p0 $0x1;
	_ =	shalt  }
.Lfunc_end1:
_tile_overlayer_lowered:
.L_overlay_start_2:
0x43: {  	(tag) =	ssettag $0x2  }
0x44: {  	s0 =	rddreg [dreg:$0x0];
	s2 =	stileid.u32  }
0x45: {  	s1 =	rddreg [dreg:$0x1];
	p0 =	sne.s32 s2, $0x0  }
0x46: {  	s3 =	rddreg [dreg:$0x2];
	[bflag:$0x3] =	sbarrier.arrive $0xFFFF;
	s2 =	simm.s32 @!p0 $0x1C01  }
0x47: {  	[timem:s3], [sflag:s2] =	dma.local @!p0 [hbm:s0], s1  }
0x48: {  	s0 =	simm.s32 @!p0 $0x1  }
0x49: {  	_ =	swait.ge @!p0 [sflag:s0], s1  }
0x4a: {  	s1 =	ssub.s32 @!p0 $0x0, s1;
	[sflag:s0] =	ssyncset.done @!p0 $0x0  }
0x4b: {  	[sflag:s0] =	ssyncadd.s32 @!p0 s1  }
0x4c: {  	[bflag:$0x3] =	sbarrier.arrive $0xFFFF  }
0x4d: {  	_ =	shalt  }

</sc_bundles>
